<compile_context>
chip_gen: v7x
topology: tpu7x:2x2x1
jax: 0.10.2.dev20260603
libtpu: 0.0.44.dev20260713+nightly
codegen_flags: <defaults>
</compile_context>

<pallas_src>
import functools

import jax
import jax.numpy as jnp
from jax import lax
from jax.experimental import pallas as pl
from jax.experimental.pallas import tpu as pltpu
from jax.experimental.pallas import tpu_sc as plsc

B = 2048
IN = 256
H = 8192
OUT = 256
HBLK = 2048
NBLK = H // HBLK


def _tc_body(x_ref, x2_ref, w2_ref, w_ref, g_ref, win_ref, gt_ref, minq, argv):
    j = pl.program_id(0)
    s2 = lax.dot_general(x_ref[...], w_ref[...] + w_ref[...],
                         (((1,), (1,)), ((), ())),
                         preferred_element_type=jnp.float32)
    t = x2_ref[...] + w2_ref[...]
    q = jnp.sqrt(t - s2)
    bmin = jnp.min(q, axis=1, keepdims=True)
    iot = lax.broadcasted_iota(jnp.int32, (1, HBLK), 1).astype(jnp.float32)
    cand = jnp.where(q == bmin, iot, jnp.float32(3.0e38))
    off = jnp.float32(HBLK) * j.astype(jnp.float32)
    barg = jnp.min(cand, axis=1, keepdims=True) + off

    @pl.when(j == 0)
    def _():
        minq[...] = bmin
        argv[...] = barg

    @pl.when(j > 0)
    def _():
        upd = bmin < minq[...]
        minq[...] = jnp.where(upd, bmin, minq[...])
        argv[...] = jnp.where(upd, barg, argv[...])

    @pl.when(j == NBLK - 1)
    def _():
        win_ref[...] = argv[...].astype(jnp.int32).reshape(B)

    gt_ref[...] = g_ref[...].T


def _tc_call(x, x2, w2, kw, gw):
    return pl.pallas_call(
        _tc_body,
        grid=(NBLK,),
        in_specs=[
            pl.BlockSpec((B, IN), lambda j: (0, 0)),
            pl.BlockSpec((B, 1), lambda j: (0, 0)),
            pl.BlockSpec((1, HBLK), lambda j: (0, j)),
            pl.BlockSpec((HBLK, IN), lambda j: (j, 0)),
            pl.BlockSpec((OUT, HBLK), lambda j: (0, j)),
        ],
        out_specs=[
            pl.BlockSpec((B,), lambda j: (0,)),
            pl.BlockSpec((HBLK, OUT), lambda j: (j, 0)),
        ],
        out_shape=[
            jax.ShapeDtypeStruct((B,), jnp.int32),
            jax.ShapeDtypeStruct((H, OUT), jnp.float32),
        ],
        scratch_shapes=[
            pltpu.VMEM((B, 1), jnp.float32),
            pltpu.VMEM((B, 1), jnp.float32),
        ],
    )(x, x2, w2, kw, gw)


_NC = 2
_NS = 16
_NW = _NC * _NS
_BPW = B // _NW


@functools.cache
def _make_sc_gather():
    @functools.partial(
        pl.kernel,
        mesh=plsc.VectorSubcoreMesh(core_axis_name="c", subcore_axis_name="s"),
        out_type=jax.ShapeDtypeStruct((B, OUT), jnp.float32),
        scratch_types=[
            pltpu.VMEM((_BPW,), jnp.int32),
            pltpu.VMEM((_BPW, OUT), jnp.float32),
            pltpu.SemaphoreType.DMA,
        ],
    )
    def _sc_gather(table_hbm, idx_hbm, out_hbm, idx_v, rows_v, sem):
        wid = lax.axis_index("s") * _NC + lax.axis_index("c")
        base = wid * _BPW
        pltpu.sync_copy(idx_hbm.at[pl.ds(base, _BPW)], idx_v)
        pltpu.async_copy(table_hbm.at[idx_v], rows_v, sem).wait()
        pltpu.sync_copy(rows_v, out_hbm.at[pl.ds(base, _BPW)])

    return _sc_gather


def kernel(x, kohonen_weights, grossberg_weights):
    x2 = jnp.sum(x * x, axis=1, keepdims=True)
    w2 = jnp.sum(kohonen_weights * kohonen_weights, axis=1)[None, :]
    winners, gt = _tc_call(x, x2, w2, kohonen_weights, grossberg_weights)
    output = _make_sc_gather()(gt, winners)
    return (output, winners)

# --- scband reference (transcript-rebuilt; emitter-appended) ---
"""Pipeline reference for scband-simple-cpnn-13529146982626 (READ-ONLY COPY).

The authoritative reference and input builder live on the scoring server;
editing this copy changes nothing except your own understanding.
"""

import jax, jax.numpy as jnp
import numpy as np

INPUT_SIZE = 256
HIDDEN_SIZE = 8192
OUTPUT_SIZE = 256
BATCH = 2048


def setup_inputs(seed: int = 0) -> dict:
    key = jax.random.key(seed)
    k1, k2, k3 = jax.random.split(key, 3)
    x = jax.random.normal(k1, (BATCH, INPUT_SIZE), dtype=jnp.float32)
    # xavier_uniform for kohonen_weights [hidden, input]
    b1 = float(np.sqrt(6.0 / (HIDDEN_SIZE + INPUT_SIZE)))
    kohonen_weights = jax.random.uniform(k2, (HIDDEN_SIZE, INPUT_SIZE), minval=-b1, maxval=b1, dtype=jnp.float32)
    # xavier_uniform for grossberg_weights [output, hidden]
    b2 = float(np.sqrt(6.0 / (OUTPUT_SIZE + HIDDEN_SIZE)))
    grossberg_weights = jax.random.uniform(k3, (OUTPUT_SIZE, HIDDEN_SIZE), minval=-b2, maxval=b2, dtype=jnp.float32)
    return {"x": x, "kohonen_weights": kohonen_weights, "grossberg_weights": grossberg_weights}


def reference(x, kohonen_weights, grossberg_weights):
    # torch.cdist(x, kohonen_weights) -- euclidean distances [B, hidden]
    x2 = jnp.sum(x * x, axis=1, keepdims=True)
    w2 = jnp.sum(kohonen_weights * kohonen_weights, axis=1)[None, :]
    d2 = x2 + w2 - 2.0 * (x @ kohonen_weights.T)
    distances = jnp.sqrt(jnp.maximum(d2, 0.0))
    # winners = argmin over codebook dim
    winners = jnp.argmin(distances, axis=1)
    # one-hot scatter: zeros.scatter_(1, winners, 1)
    winner_one_hot = jax.nn.one_hot(winners, kohonen_weights.shape[0], dtype=x.dtype)
    # output = one_hot @ grossberg.T  -> [B, output_size]
    output = winner_one_hot @ grossberg_weights.T
    return (output, winners)

if __name__ == "__main__":
    import jax
    _d = setup_inputs()
    print(jax.jit(kernel)(*tuple(_d.values())))

</pallas_src>

<mosaic_0001>
#map = affine_map<(d0, d1) -> (0, 0)>
#map1 = affine_map<(d0, d1) -> (0)>
module attributes {stable_mosaic.version = 14 : i64} {
  func.func @_sc_gather(%arg0: i32, %arg1: i32, %arg2: memref<8192x256xf32, #tpu.memory_space<hbm>>, %arg3: memref<2048xi32, #tpu.memory_space<hbm>>, %arg4: memref<2048x256xf32, #tpu.memory_space<hbm>>, %arg5: memref<64xi32, #tpu.memory_space<vmem>>, %arg6: memref<64x256xf32, #tpu.memory_space<vmem>>, %arg7: memref<!tpu.dma_semaphore, #tpu.memory_space<semaphore_mem>>) attributes {dimension_semantics = [#tpu.dimension_semantics<core_parallel>, #tpu.dimension_semantics<subcore_parallel>], iteration_bounds = array<i64: 2, 16>, scalar_prefetch = 0 : i64, scratch_operands = 3 : i64, tpu.core_type = #tpu.core_type<sc_vector_subcore>, window_params = [{transform_indices = #map}, {transform_indices = #map1}, {transform_indices = #map}]} {
    %mul3A = arith.constant 2 : i32
    %mul3A_0 = arith.muli %arg1, %mul3A : i32
    %add3A = arith.addi %mul3A_0, %arg0 : i32
    %mul3A_1 = arith.constant 64 : i32
    %mul3A_2 = arith.muli %add3A, %mul3A_1 : i32
    "tpu.region"() ({
      %run_scoped3A = tpu.sem_alloc : memref<!tpu.dma_semaphore, #tpu.memory_space<semaphore_mem>>
      %dma_start3A_7 = tpu.memref_slice %arg3[%mul3A_2] : memref<2048xi32, #tpu.memory_space<hbm>> -> memref<64xi32, #tpu.memory_space<hbm>>
      %dma_start3A_8 = tpu.memref_slice %arg3[%mul3A_2] : memref<2048xi32, #tpu.memory_space<hbm>> -> memref<64xi32, #tpu.memory_space<hbm>>
      tpu.enqueue_dma source(%dma_start3A_8 : memref<64xi32, #tpu.memory_space<hbm>>) target(%arg5 : memref<64xi32, #tpu.memory_space<vmem>>) target_semaphore(%run_scoped3A : memref<!tpu.dma_semaphore, #tpu.memory_space<semaphore_mem>>)
      %dma_wait3A_9 = tpu.memref_slice %arg3[%mul3A_2] : memref<2048xi32, #tpu.memory_space<hbm>> -> memref<64xi32, #tpu.memory_space<hbm>>
      %dma_wait3A_10 = tpu.memref_slice %arg3[%mul3A_2] : memref<2048xi32, #tpu.memory_space<hbm>> -> memref<64xi32, #tpu.memory_space<hbm>>
      tpu.wait_dma2 semaphore(%run_scoped3A : memref<!tpu.dma_semaphore, #tpu.memory_space<semaphore_mem>>) src(%dma_wait3A_10 : memref<64xi32, #tpu.memory_space<hbm>>) dst(%arg5 : memref<64xi32, #tpu.memory_space<vmem>>)
      tpu.yield
    }) : () -> ()
    %dma_start3A = arith.constant 0 : i32
    %dma_start3A_3 = arith.constant 0 : i32
    %dma_start3A_4 = tpu.memref_slice %arg2[%dma_start3A, %dma_start3A_3] : memref<8192x256xf32, #tpu.memory_space<hbm>> -> memref<8192x256xf32, #tpu.memory_space<hbm>>
    tpu.enqueue_indirect_dma source(%dma_start3A_4 : memref<8192x256xf32, #tpu.memory_space<hbm>>) target(%arg6 : memref<64x256xf32, #tpu.memory_space<vmem>>) offsets(%arg5 : memref<64xi32, #tpu.memory_space<vmem>>) semaphore(%arg7 : memref<!tpu.dma_semaphore, #tpu.memory_space<semaphore_mem>>)
    %dma_wait3A = arith.constant 0 : i32
    %dma_wait3A_5 = arith.constant 0 : i32
    %dma_wait3A_6 = tpu.memref_slice %arg2[%dma_wait3A, %dma_wait3A_5] : memref<8192x256xf32, #tpu.memory_space<hbm>> -> memref<8192x256xf32, #tpu.memory_space<hbm>>
    tpu.wait_indirect_dma semaphore(%arg7 : memref<!tpu.dma_semaphore, #tpu.memory_space<semaphore_mem>>) src(%dma_wait3A_6 : memref<8192x256xf32, #tpu.memory_space<hbm>>) dst(%arg6 : memref<64x256xf32, #tpu.memory_space<vmem>>)
    "tpu.region"() ({
      %run_scoped3A = tpu.sem_alloc : memref<!tpu.dma_semaphore, #tpu.memory_space<semaphore_mem>>
      %dma_start3A_7 = arith.constant 0 : i32
      %dma_start3A_8 = tpu.memref_slice %arg4[%mul3A_2, %dma_start3A_7] : memref<2048x256xf32, #tpu.memory_space<hbm>> -> memref<64x256xf32, #tpu.memory_space<hbm>>
      %dma_start3A_9 = arith.constant 0 : i32
      %dma_start3A_10 = tpu.memref_slice %arg4[%mul3A_2, %dma_start3A_9] : memref<2048x256xf32, #tpu.memory_space<hbm>> -> memref<64x256xf32, #tpu.memory_space<hbm>>
      tpu.enqueue_dma source(%arg6 : memref<64x256xf32, #tpu.memory_space<vmem>>) target(%dma_start3A_10 : memref<64x256xf32, #tpu.memory_space<hbm>>) target_semaphore(%run_scoped3A : memref<!tpu.dma_semaphore, #tpu.memory_space<semaphore_mem>>)
      %dma_wait3A_11 = arith.constant 0 : i32
      %dma_wait3A_12 = tpu.memref_slice %arg4[%mul3A_2, %dma_wait3A_11] : memref<2048x256xf32, #tpu.memory_space<hbm>> -> memref<64x256xf32, #tpu.memory_space<hbm>>
      %dma_wait3A_13 = arith.constant 0 : i32
      %dma_wait3A_14 = tpu.memref_slice %arg4[%mul3A_2, %dma_wait3A_13] : memref<2048x256xf32, #tpu.memory_space<hbm>> -> memref<64x256xf32, #tpu.memory_space<hbm>>
      tpu.wait_dma2 semaphore(%run_scoped3A : memref<!tpu.dma_semaphore, #tpu.memory_space<semaphore_mem>>) src(%arg6 : memref<64x256xf32, #tpu.memory_space<vmem>>) dst(%dma_wait3A_14 : memref<64x256xf32, #tpu.memory_space<hbm>>)
      tpu.yield
    }) : () -> ()
    return
  }
}

module attributes {stable_mosaic.version = 14 : i64} {
  func.func @_tc_body(%arg0: i32, %arg1: memref<2048x256xf32, #tpu.memory_space<vmem>>, %arg2: memref<2048x1xf32, #tpu.memory_space<vmem>>, %arg3: memref<1x2048xf32, #tpu.memory_space<vmem>>, %arg4: memref<2048x256xf32, #tpu.memory_space<vmem>>, %arg5: memref<256x2048xf32, #tpu.memory_space<vmem>>, %arg6: memref<2048xi32, #tpu.memory_space<vmem>>, %arg7: memref<2048x256xf32, #tpu.memory_space<vmem>>, %arg8: memref<2048x1xf32, #tpu.memory_space<vmem>>, %arg9: memref<2048x1xf32, #tpu.memory_space<vmem>>) attributes {dimension_semantics = [#tpu.dimension_semantics<arbitrary>], iteration_bounds = array<i64: 4>, scalar_prefetch = 0 : i64, scratch_operands = 2 : i64, tpu.core_type = #tpu.core_type<tc>, window_params = [{pipeline_mode = #tpu.pipeline_mode<synchronous>, transform_indices = @transform_0, window_bounds = array<i64: 2048, 256>}, {pipeline_mode = #tpu.pipeline_mode<synchronous>, transform_indices = @transform_1, window_bounds = array<i64: 2048, 1>}, {transform_indices = @transform_2, window_bounds = array<i64: 1, 2048>}, {transform_indices = @transform_3, window_bounds = array<i64: 2048, 256>}, {transform_indices = @transform_4, window_bounds = array<i64: 256, 2048>}, {pipeline_mode = #tpu.pipeline_mode<synchronous>, transform_indices = @transform_5, window_bounds = array<i64: 2048>}, {transform_indices = @transform_6, window_bounds = array<i64: 2048, 256>}]} {
    %get3A = arith.constant 0 : index
    %get3A_0 = arith.constant 0 : index
    %get3A_1 = vector.load %arg1[%get3A, %get3A_0] : memref<2048x256xf32, #tpu.memory_space<vmem>>, vector<2048x256xf32>
    %get3A_2 = arith.constant 0 : index
    %get3A_3 = arith.constant 0 : index
    %get3A_4 = vector.load %arg4[%get3A_2, %get3A_3] : memref<2048x256xf32, #tpu.memory_space<vmem>>, vector<2048x256xf32>
    %get3A_5 = arith.constant 0 : index
    %get3A_6 = arith.constant 0 : index
    %get3A_7 = vector.load %arg4[%get3A_5, %get3A_6] : memref<2048x256xf32, #tpu.memory_space<vmem>>, vector<2048x256xf32>
    %add3A = arith.addf %get3A_4, %get3A_7 : vector<2048x256xf32>
    %dot_general3A = arith.constant dense<0.000000e+00> : vector<2048x2048xf32>
    %dot_general3A_8 = tpu.matmul %get3A_1, %add3A, %dot_general3A {dimension_numbers = #tpu.dot_dimension_numbers<[1], [1], [0], [0], [0, 0, 1, 0], [], []>, transpose_lhs_hint = false} : vector<2048x256xf32>, vector<2048x256xf32>, vector<2048x2048xf32> -> vector<2048x2048xf32>
    %get3A_9 = arith.constant 0 : index
    %get3A_10 = arith.constant 0 : index
    %get3A_11 = vector.load %arg2[%get3A_9, %get3A_10] : memref<2048x1xf32, #tpu.memory_space<vmem>>, vector<2048x1xf32>
    %get3A_12 = arith.constant 0 : index
    %get3A_13 = arith.constant 0 : index
    %get3A_14 = vector.load %arg3[%get3A_12, %get3A_13] : memref<1x2048xf32, #tpu.memory_space<vmem>>, vector<1x2048xf32>
    %add3A_15 = vector.broadcast %get3A_11 : vector<2048x1xf32> to vector<2048x2048xf32>
    %add3A_16 = vector.broadcast %get3A_14 : vector<1x2048xf32> to vector<2048x2048xf32>
    %add3A_17 = arith.addf %add3A_15, %add3A_16 : vector<2048x2048xf32>
    %sub3A = arith.subf %add3A_17, %dot_general3A_8 : vector<2048x2048xf32>
    %sqrt3A = math.sqrt %sub3A : vector<2048x2048xf32>
    %reduce_min3A = arith.constant dense<0x7F800000> : vector<2048xf32>
    %reduce_min3A_18 = vector.multi_reduction <minimumf>, %sqrt3A, %reduce_min3A [1] : vector<2048x2048xf32> to vector<2048xf32>
    %broadcast_in_dim3A = vector.shape_cast %reduce_min3A_18 : vector<2048xf32> to vector<2048x1xf32>
    %iota3A = tpu.iota {dimensions = array<i32: 1>} : vector<1x2048xi32>
    %convert_element_type3A = arith.sitofp %iota3A : vector<1x2048xi32> to vector<1x2048xf32>
    %eq3A = vector.broadcast %broadcast_in_dim3A : vector<2048x1xf32> to vector<2048x2048xf32>
    %eq3A_19 = arith.cmpf oeq, %sqrt3A, %eq3A : vector<2048x2048xf32>
    %jit3A = arith.constant 3.000000e+38 : f32
    %broadcast_in_dim3A_20 = vector.shape_cast %convert_element_type3A : vector<1x2048xf32> to vector<1x2048xf32>
    %broadcast_in_dim3A_21 = vector.broadcast %broadcast_in_dim3A_20 : vector<1x2048xf32> to vector<2048x2048xf32>
    %broadcast_in_dim3A_22 = vector.broadcast %jit3A : f32 to vector<2048x2048xf32>
    %select_n3A = arith.select %eq3A_19, %broadcast_in_dim3A_21, %broadcast_in_dim3A_22 : vector<2048x2048xi1>, vector<2048x2048xf32>
    %convert_element_type3A_23 = arith.sitofp %arg0 : i32 to f32
    %mul3A = arith.constant 2.048000e+03 : f32
    %mul3A_24 = arith.mulf %mul3A, %convert_element_type3A_23 : f32
    %reduce_min3A_25 = arith.constant dense<0x7F800000> : vector<2048xf32>
    %reduce_min3A_26 = vector.multi_reduction <minimumf>, %select_n3A, %reduce_min3A_25 [1] : vector<2048x2048xf32> to vector<2048xf32>
    %broadcast_in_dim3A_27 = vector.shape_cast %reduce_min3A_26 : vector<2048xf32> to vector<2048x1xf32>
    %add3A_28 = vector.broadcast %mul3A_24 : f32 to vector<2048x1xf32>
    %add3A_29 = arith.addf %broadcast_in_dim3A_27, %add3A_28 : vector<2048x1xf32>
    %eq3A_30 = arith.constant 0 : i32
    %eq3A_31 = arith.cmpi eq, %arg0, %eq3A_30 : i32
    %convert_element_type3A_32 = arith.extui %eq3A_31 : i1 to i32
    %cond3A = arith.constant 0 : i32
    %cond3A_33 = arith.cmpi ne, %convert_element_type3A_32, %cond3A : i32
    scf.if %cond3A_33 {
      %swap3A_48 = arith.constant 0 : index
      %swap3A_49 = arith.constant 0 : index
      %swap3A_50 = vector.load %arg8[%swap3A_48, %swap3A_49] : memref<2048x1xf32, #tpu.memory_space<vmem>>, vector<2048x1xf32>
      tpu.vector_store %arg8[%swap3A_48, %swap3A_49], %broadcast_in_dim3A {strides = array<i32>} : memref<2048x1xf32, #tpu.memory_space<vmem>>, vector<2048x1xf32>,
      %swap3A_51 = arith.constant 0 : index
      %swap3A_52 = arith.constant 0 : index
      %swap3A_53 = vector.load %arg9[%swap3A_51, %swap3A_52] : memref<2048x1xf32, #tpu.memory_space<vmem>>, vector<2048x1xf32>
      tpu.vector_store %arg9[%swap3A_51, %swap3A_52], %add3A_29 {strides = array<i32>} : memref<2048x1xf32, #tpu.memory_space<vmem>>, vector<2048x1xf32>,
    } else {
    }
    %gt3A = arith.constant 0 : i32
    %gt3A_34 = arith.cmpi sgt, %arg0, %gt3A : i32
    %convert_element_type3A_35 = arith.extui %gt3A_34 : i1 to i32
    %cond3A_36 = arith.constant 0 : i32
    %cond3A_37 = arith.cmpi ne, %convert_element_type3A_35, %cond3A_36 : i32
    scf.if %cond3A_37 {
      %get3A_48 = arith.constant 0 : index
      %get3A_49 = arith.constant 0 : index
      %get3A_50 = vector.load %arg8[%get3A_48, %get3A_49] : memref<2048x1xf32, #tpu.memory_space<vmem>>, vector<2048x1xf32>
      %lt3A = arith.cmpf olt, %broadcast_in_dim3A, %get3A_50 : vector<2048x1xf32>
      %get3A_51 = arith.constant 0 : index
      %get3A_52 = arith.constant 0 : index
      %get3A_53 = vector.load %arg8[%get3A_51, %get3A_52] : memref<2048x1xf32, #tpu.memory_space<vmem>>, vector<2048x1xf32>
      %select_n3A_54 = arith.select %lt3A, %broadcast_in_dim3A, %get3A_53 : vector<2048x1xi1>, vector<2048x1xf32>
      %swap3A_55 = arith.constant 0 : index
      %swap3A_56 = arith.constant 0 : index
      %swap3A_57 = vector.load %arg8[%swap3A_55, %swap3A_56] : memref<2048x1xf32, #tpu.memory_space<vmem>>, vector<2048x1xf32>
      tpu.vector_store %arg8[%swap3A_55, %swap3A_56], %select_n3A_54 {strides = array<i32>} : memref<2048x1xf32, #tpu.memory_space<vmem>>, vector<2048x1xf32>,
      %get3A_58 = arith.constant 0 : index
      %get3A_59 = arith.constant 0 : index
      %get3A_60 = vector.load %arg9[%get3A_58, %get3A_59] : memref<2048x1xf32, #tpu.memory_space<vmem>>, vector<2048x1xf32>
      %select_n3A_61 = arith.select %lt3A, %add3A_29, %get3A_60 : vector<2048x1xi1>, vector<2048x1xf32>
      %swap3A_62 = arith.constant 0 : index
      %swap3A_63 = arith.constant 0 : index
      %swap3A_64 = vector.load %arg9[%swap3A_62, %swap3A_63] : memref<2048x1xf32, #tpu.memory_space<vmem>>, vector<2048x1xf32>
      tpu.vector_store %arg9[%swap3A_62, %swap3A_63], %select_n3A_61 {strides = array<i32>} : memref<2048x1xf32, #tpu.memory_space<vmem>>, vector<2048x1xf32>,
    } else {
    }
    %eq3A_38 = arith.constant 3 : i32
    %eq3A_39 = arith.cmpi eq, %arg0, %eq3A_38 : i32
    %convert_element_type3A_40 = arith.extui %eq3A_39 : i1 to i32
    %cond3A_41 = arith.constant 0 : i32
    %cond3A_42 = arith.cmpi ne, %convert_element_type3A_40, %cond3A_41 : i32
    scf.if %cond3A_42 {
      %get3A_48 = arith.constant 0 : index
      %get3A_49 = arith.constant 0 : index
      %get3A_50 = vector.load %arg9[%get3A_48, %get3A_49] : memref<2048x1xf32, #tpu.memory_space<vmem>>, vector<2048x1xf32>
      %convert_element_type3A_51 = arith.fptosi %get3A_50 : vector<2048x1xf32> to vector<2048x1xi32>
      %reshape3A = vector.shape_cast %convert_element_type3A_51 : vector<2048x1xi32> to vector<2048xi32>
      %swap3A_52 = arith.constant 0 : index
      %swap3A_53 = vector.load %arg6[%swap3A_52] : memref<2048xi32, #tpu.memory_space<vmem>>, vector<2048xi32>
      tpu.vector_store %arg6[%swap3A_52], %reshape3A {strides = array<i32>} : memref<2048xi32, #tpu.memory_space<vmem>>, vector<2048xi32>,
    } else {
    }
    %get3A_43 = arith.constant 0 : index
    %get3A_44 = arith.constant 0 : index
    %get3A_45 = vector.load %arg5[%get3A_43, %get3A_44] : memref<256x2048xf32, #tpu.memory_space<vmem>>, vector<256x2048xf32>
    %transpose3A = tpu.transpose %get3A_45, [1, 0] : vector<256x2048xf32> -> vector<2048x256xf32>
    %swap3A = arith.constant 0 : index
    %swap3A_46 = arith.constant 0 : index
    %swap3A_47 = vector.load %arg7[%swap3A, %swap3A_46] : memref<2048x256xf32, #tpu.memory_space<vmem>>, vector<2048x256xf32>
    tpu.vector_store %arg7[%swap3A, %swap3A_46], %transpose3A {strides = array<i32>} : memref<2048x256xf32, #tpu.memory_space<vmem>>, vector<2048x256xf32>,
    return
  }
  func.func @transform_0(%arg0: i32) -> (i32, i32) {
    %c0_i32 = arith.constant 0 : i32
    %c0_i32_0 = arith.constant 0 : i32
    %c0_i32_1 = arith.constant 0 : i32
    return %c0_i32, %c0_i32_0 : i32, i32
  }
  func.func @transform_1(%arg0: i32) -> (i32, i32) {
    %c0_i32 = arith.constant 0 : i32
    %c0_i32_0 = arith.constant 0 : i32
    %c0_i32_1 = arith.constant 0 : i32
    return %c0_i32, %c0_i32_0 : i32, i32
  }
  func.func @transform_2(%arg0: i32) -> (i32, i32) {
    %c0_i32 = arith.constant 0 : i32
    %c0_i32_0 = arith.constant 0 : i32
    return %c0_i32, %arg0 : i32, i32
  }
  func.func @transform_3(%arg0: i32) -> (i32, i32) {
    %c0_i32 = arith.constant 0 : i32
    %c0_i32_0 = arith.constant 0 : i32
    return %arg0, %c0_i32 : i32, i32
  }
  func.func @transform_4(%arg0: i32) -> (i32, i32) {
    %c0_i32 = arith.constant 0 : i32
    %c0_i32_0 = arith.constant 0 : i32
    return %c0_i32, %arg0 : i32, i32
  }
  func.func @transform_5(%arg0: i32) -> i32 {
    %c0_i32 = arith.constant 0 : i32
    %c0_i32_0 = arith.constant 0 : i32
    return %c0_i32 : i32
  }
  func.func @transform_6(%arg0: i32) -> (i32, i32) {
    %c0_i32 = arith.constant 0 : i32
    %c0_i32_0 = arith.constant 0 : i32
    return %arg0, %c0_i32 : i32, i32
  }
}

</mosaic_0001>

<sc_bundles>
// kernel: kernel.4.cloned.1.call-start
scs
__scs_entry_jumppad:
0x0: {  	(pc) =	sbr.rel $0x88, $3  }
0x1: {  	(tag) =	ssettag $0x0;
	lr =	simm.s32 $0x1  }
0x2: {  	[smem:$0x3F9E] =	sst lr;
	_ =	strace $0xD0000000  }
0x3: {  	_ = 	snop  }
0x4: {  	_ = 	snop  }
0x5: {  	_ = 	snop  }
0x6: {  	_ = 	snop  }
0x7: {  	_ = 	snop  }
__scs_overlays_trampoline_lowered:
0x8: {  	[smem:$0x3FAD] =	sst s0  }
0x9: {  	[smem:$0x3FAE] =	sst s1  }
0xa: {  	[smem:$0x3FAF] =	sst s2  }
0xb: {  	[smem:$0x3FB0] =	sst s3  }
0xc: {  	[smem:$0x3FB1] =	sst s4  }
0xd: {  	[smem:$0x3FB2] =	sst s5  }
0xe: {  	[smem:$0x3FB3] =	sst s6  }
0xf: {  	[smem:$0x3FB4] =	sst s7  }
0x10: {  	[smem:$0x3FB5] =	sst s8  }
0x11: {  	[smem:$0x3FB6] =	sst s9;
	s0 =	simm.s32 @!p0 $0x0  }
0x12: {  	s1 =	sld [smem:$0x3F9C];
	s0 =	simm.s32 @p0 $0x1  }
0x13: {  	[smem:$0x3FB7] =	sst s0;
	s0 =	simm.s32 @!p1 $0x0  }
0x14: {  	s2 =	sld [smem:$0x3F9B];
	s0 =	simm.s32 @p1 $0x1  }
0x15: {  	[smem:$0x3FB8] =	sst s0;
	s0 =	simm.s32 @!p2 $0x0  }
0x16: {  	s3 =	sld [smem:$0x3FDB];
	s0 =	simm.s32 @p2 $0x1  }
0x17: {  	s4 =	simm.s32 $0x1BF5;
	[smem:$0x3FBA] =	sst s0  }
0x18: {  	s0 =	sld [smem:$0x3F9D];
	_ =	swait.ge [sflag:s4], $0x0  }
0x19: {  	s7 =	sld [smem:$0x3F9E]  }
0x1a: {  	s8 =	sadd.s32 $0xFFFFE003, lr  }
0x1b: {  	s9 =	sadd.s32 $0xFFFFFEF7, lr;
	s5 =	simm.s32 $0xFFFFFFFF;
	p2 =	slt.u32 s8, $0xFFFFF086  }
0x1c: {  	p1 =	slt.u32 s9, $0xF7A;
	s5 =	simm.s32 @!p2 $0x0  }
0x1d: {  	s5 =	simm.s32 @p1 $0x1;
	p0 =	seq.s32 s7, s2  }
0x1e: {  	s7 =	smul.u32 @!p0 $0xF7A, s2;
	p2 =	seq.s32 @!p0 s5, $0x0  }
0x1f: {  	s9 =	smul.u32 $0xF7A, s1;
	s8 =	simm.s32 @!p0 $0x1BF5;
	p2 =	por !p2, p0  }
0x20: {  	[sflag:s8] =	ssyncset.s32 @!p0 $0xFFFFF086;
	s6 =	sadd.s32 @!p0 s3, s7;
	s7 =	simm.s32 @!p0 $0x108  }
0x21: {  	s3 =	sadd.s32 s3, s9;
	s6 =	sadd.s32 @!p0 $0x88, s6;
	s7 =	simm.s32 @p2 $0x1082  }
0x22: {  	[simem:s7], [sflag:s8] =	dma.local @!p0 [hbm:s6], $0xF7A  }
0x23: {  	s9 =	sor.u32 $0xD0000000, s2;
	s6 =	simm.s32 $0x108;
	_ =	swait.ge @!p0 [sflag:s8], $0x0  }
0x24: {  	s3 =	sadd.s32 $0x88, s3;
	s6 =	simm.s32 @!p1 $0x1082;
	[sflag:s4] =	ssyncset.s32 $0xFFFFF086  }
0x25: {  	[simem:s6], [sflag:s4] =	dma.local [hbm:s3], $0xF7A  }
0x26: {  	[smem:$0x3F9E] =	sst s1;
	(tag) =	ssettag s2;
	_ =	strace s9  }
0x27: {  	s1 =	sld [smem:$0x3FAE]  }
0x28: {  	s2 =	sld [smem:$0x3FAF]  }
0x29: {  	s4 =	sld [smem:$0x3FB1]  }
0x2a: {  	p0 =	seq.s32 s5, $0x0;
	s5 =	sld [smem:$0x3FB2]  }
0x2b: {  	s6 =	sld [smem:$0x3FB3]  }
0x2c: {  	s7 =	sld [smem:$0x3FB4]  }
0x2d: {  	s3 =	simm.s32 $0x108;
	s8 =	sld [smem:$0x3FB5]  }
0x2e: {  	s3 =	simm.s32 @!p0 $0x1082;
	s9 =	sld [smem:$0x3FB6]  }
0x2f: {  	lr =	sadd.s32 s0, s3;
	s0 =	sld [smem:$0x3FAD]  }
0x30: {  	s3 =	sld [smem:$0x3FB0]  }
0x31: {  	[smem:$0x3FB9] =	sst s10  }
0x32: {  	s10 =	sld [smem:$0x3FB7];
	_ =	sdelay $0x3  }
0x33: {  	p0 =	seq.s32 s10, $0x1;
	s10 =	sld [smem:$0x3FB9];
	_ =	sdelay $0x3  }
0x34: {  	[smem:$0x3FB9] =	sst s10  }
0x35: {  	s10 =	sld [smem:$0x3FB8];
	_ =	sdelay $0x3  }
0x36: {  	p1 =	seq.s32 s10, $0x1;
	s10 =	sld [smem:$0x3FB9];
	_ =	sdelay $0x3  }
0x37: {  	[smem:$0x3FB9] =	sst s10  }
0x38: {  	s10 =	sld [smem:$0x3FBA]  }
0x39: {  	_ = 	snop;
	(pc) =	sbr.ind lr, $3  }
0x3a: {  	_ = 	snop  }
0x3b: {  	_ = 	snop  }
0x3c: {  	p2 =	seq.s32 s10, $0x1;
	s10 =	sld [smem:$0x3FB9]  }
0x3d: {  	_ =	shalt  }
0x3e: {  	_ =	shalt  }
0x3f: {  	_ =	shalt  }
0x40: {  	_ =	shalt  }
0x41: {  	_ =	shalt  }
0x42: {  	_ =	shalt  }
0x43: {  	_ =	shalt  }
0x44: {  	_ =	shalt  }
0x45: {  	_ =	shalt  }
0x46: {  	_ =	shalt  }
0x47: {  	_ =	shalt  }
0x48: {  	_ =	shalt  }
0x49: {  	_ =	shalt  }
0x4a: {  	_ =	shalt  }
0x4b: {  	_ =	shalt  }
0x4c: {  	_ =	shalt  }
0x4d: {  	_ =	shalt  }
0x4e: {  	_ =	shalt  }
0x4f: {  	_ =	shalt  }
0x50: {  	_ =	shalt  }
0x51: {  	_ =	shalt  }
0x52: {  	_ =	shalt  }
0x53: {  	_ =	shalt  }
0x54: {  	_ =	shalt  }
0x55: {  	_ =	shalt  }
0x56: {  	_ =	shalt  }
0x57: {  	_ =	shalt  }
0x58: {  	_ =	shalt  }
0x59: {  	_ =	shalt  }
0x5a: {  	_ =	shalt  }
0x5b: {  	_ =	shalt  }
0x5c: {  	_ =	shalt  }
0x5d: {  	_ =	shalt  }
0x5e: {  	_ =	shalt  }
0x5f: {  	_ =	shalt  }
0x60: {  	_ =	shalt  }
0x61: {  	_ =	shalt  }
0x62: {  	_ =	shalt  }
0x63: {  	_ =	shalt  }
0x64: {  	_ =	shalt  }
0x65: {  	_ =	shalt  }
0x66: {  	_ =	shalt  }
0x67: {  	_ =	shalt  }
0x68: {  	_ =	shalt  }
0x69: {  	_ =	shalt  }
0x6a: {  	_ =	shalt  }
0x6b: {  	_ =	shalt  }
0x6c: {  	_ =	shalt  }
0x6d: {  	_ =	shalt  }
0x6e: {  	_ =	shalt  }
0x6f: {  	_ =	shalt  }
0x70: {  	_ =	shalt  }
0x71: {  	_ =	shalt  }
0x72: {  	_ =	shalt  }
0x73: {  	_ =	shalt  }
0x74: {  	_ =	shalt  }
0x75: {  	_ =	shalt  }
0x76: {  	_ =	shalt  }
0x77: {  	_ =	shalt  }
0x78: {  	_ =	shalt  }
0x79: {  	_ =	shalt  }
0x7a: {  	_ =	shalt  }
0x7b: {  	_ =	shalt  }
0x7c: {  	_ =	shalt  }
0x7d: {  	_ =	shalt  }
0x7e: {  	_ =	shalt  }
0x7f: {  	_ =	shalt  }
0x80: {  	_ =	shalt  }
0x81: {  	_ =	shalt  }
0x82: {  	_ =	shalt  }
0x83: {  	_ =	shalt  }
0x84: {  	_ =	shalt  }
0x85: {  	_ =	shalt  }
0x86: {  	_ =	shalt  }
0x87: {  	_ =	shalt  }
.Lfunc_end0:
.L_simem_size_0:
called_computation_lowered:
.L_overlay_start_0:
0x88: {  	s2 =	sld [smem:$0x3FD9]  }
0x89: {  	s3 =	sld [smem:$0x3FFE];
	_ =	sdelay $0x1  }
0x8a: {  	s1 =	srdreg.scid  }
0x8b: {  	s0 =	sand.u32 $0x1, s1  }
0x8c: {  	s14 =	sshll.u32 s0, $0xA;
	s2 =	sadd.s32 s3, s2  }
0x8d: {  	s2 =	sadd.s32 s2, s14  }
0x8e: {  	[smem:$0x3FC5] =	sst s2  }
0x8f: {  	_ = 	snop  }
0x90: {  	s2 =	sld [smem:$0x3FD0];
	_ =	sdelay $0x2  }
0x91: {  	s15 =	simm.s32 $0xA;
	s4 =	simm.s32 $0x10  }
0x92: {  	[smem:s4], [sflag:s15] =	dma.local [hbm:s2], $0x1  }
0x93: {  	_ =	swait.eq [sflag:s15], $0x1  }
0x94: {  	[sflag:s15] =	ssyncset.done $0x0  }
0x95: {  	s16 =	sld [smem:$0x10];
	[sflag:s15] =	ssyncadd.s32 $0xFFFFFFFF  }
0x96: {  	s17 =	sld [smem:$0x11];
	(tm) =	ssettm $0x1  }
0x97: {  	s18 =	sld [smem:$0x3FFB];
	_ =	sdelay $0x3  }
0x98: {  	_ =	strace s18  }
0x99: {  	s4 =	sld [smem:$0x3FFC];
	_ =	sdelay $0x3  }
0x9a: {  	_ =	strace s4  }
0x9b: {  	s4 =	sld [smem:$0x3FFD];
	_ =	sdelay $0x3  }
0x9c: {  	_ =	strace s4  }
0x9d: {  	_ =	strace $0x8FFFFFFF  }
0x9e: {  	s19 =	sld [smem:$0x3FDB];
	_ =	sdelay $0x1  }
0x9f: {  	s5 =	simm.s32 $_scs_section_size  }
0xa0: {  	s6 =	simm.s32 $_size__tile_overlayer_lowered;
	s7 =	simm.s32 $_tile_overlayer_lowered  }
0xa1: {  	s22 =	simm.s32 $0x1BFF;
	s21 =	sshll.u32 s7, $0x1;
	s4 =	sadd.s32 s5, s19  }
0xa2: {  	s8 =	simm.s32 $0x0;
	s20 =	sshll.u32 s6, $0x1;
	s6 =	sadd.s32 s21, s4  }
0xa3: {  	[timem:s8], [sflag:s22] =	dma.local [hbm:s6], s20  }
0xa4: {  	_ =	swait.ge [sflag:s22], s20  }
0xa5: {  	s5 =	ssub.s32 $0x0, s20;
	[sflag:s22] =	ssyncset.done $0x0  }
0xa6: {  	[sflag:s22] =	ssyncadd.s32 s5;
	_ =	sdelay $0x1  }
0xa7: {  	s23 =	simm.s32 $0x1B8B  }
0xa8: {  	_ =	swait.ge [sflag:s23], $0x1  }
0xa9: {  	[sflag:s23] =	ssyncset.done $0x0  }
0xaa: {  	s25 =	simm.s32 $0x1B8E;
	s24 =	sld [smem:$0x3FFE];
	[sflag:s23] =	ssyncadd.s32 $0xFFFFFFFF  }
0xab: {  	s26 =	simm.s32 $execute0_lowered;
	[smem:$0x3FD2] =	sst s25  }
0xac: {  	s6 =	sshll.u32 s26, $0x1;
	_ =	strace $0x80000046;
	[dreg:$0x1] =	wrdreg $0xFFFFFFFF  }
0xad: {  	s28 =	simm.s32 $_size_execute0_lowered;
	s4 =	sadd.s32 s4, s6;
	[dreg:$0x0] =	wrdreg $0x0  }
0xae: {  	s6 =	sshll.u32 s28, $0x1;
	[dreg:$0x2] =	wrdreg s4  }
0xaf: {  	[dreg:$0x3] =	wrdreg s6  }
0xb0: {  	[dreg:$0x4] =	wrdreg $0xC0  }
0xb1: {  	_ =	task [dreg:s8], $0x5FFFF  }
0xb2: {  	[dreg:$0x1] =	wrdreg $0xFFFFFFFF  }
0xb3: {  	[dreg:$0x0] =	wrdreg $0x60  }
0xb4: {  	[dreg:$0x2] =	wrdreg s24  }
0xb5: {  	[dreg:$0x3] =	wrdreg s17  }
0xb6: {  	[dreg:$0x4] =	wrdreg s16  }
0xb7: {  	[dreg:$0x5] =	wrdreg $0x9  }
0xb8: {  	_ =	task.clear_ibuf [dreg:s8], $0x6FFFF;
	_ =	strace $0x90000046  }
0xb9: {  	s29 =	simm.s32 $0x9;
	_ =	strace $0x80000048  }
0xba: {  	_ =	swait.ge [sflag:s29], $0x1  }
0xbb: {  	[sflag:s29] =	ssyncadd.s32 $0xFFFFFFFF  }
0xbc: {  	_ =	strace $0x90000048  }
0xbd: {  	_ =	sfence  }
0xbe: {  	s30 =	sld [smem:$0x0];
	_ =	sdelay $0x2  }
0xbf: {  	s31 =	sshll.u32 s1, $0xD;
	s1 =	sshrl.u32 s1, $0x2  }
0xc0: {  	s3 =	sand.u32 $0x4000, s31;
	s1 =	sadd.s32 s1, s30  }
0xc1: {  	s0 =	sor.u32 s3, s0;
	s1 =	sshll.u32 s1, $0x11  }
0xc2: {  	s0 =	sor.u32 s1, s0  }
0xc3: {  	s0 =	sadd.s32 $0x8F2B, s0  }
0xc4: {  	[sflag:s0] =	ssyncadd.remote.s32 $0x1  }
0xc5: {  	_ =	sfence.sel $0xFFFF  }
0xc6: {  	[dreg:$0x0] =	wrdreg $0xFFFFFFFF;
	(pc) =	sbr.abs _section_cstart, $3  }
0xc7: {  	[dreg:$0x1] =	wrdreg $0xFFFFFFFF  }
0xc8: {  	_ =	task.clear_ibuf [dreg:s8], $0x2FFFF;
	_ =	strace $0x9FFFFFFF  }
0xc9: {  	(tm) =	ssettm $0x7FFFFFFF  }
tec
execute0_lowered:
.L_overlay_start_1:
0x0: {  	(tag) =	ssettag $0x1  }
0x1: {  	s3 =	rddreg [dreg:$0x0]  }
0x2: {  	s4 =	rddreg [dreg:$0x1]  }
0x3: {  	s5 =	rddreg [dreg:$0x2]  }
0x4: {  	s0 =	rddreg [dreg:$0x3];
	s6 =	srdreg.scid  }
0x5: {  	s2 =	simm.s32 $0x0;
	s1 =	stileid.u32;
	s10 =	simm.s32 $0x1080  }
0x6: {  	s11 =	simm.s32 $0x1880;
	s12 =	simm.s32 $0x2080;
	s13 =	simm.s32 $0x2880  }
0x7: {  	s14 =	simm.s32 $0x3080;
	s15 =	simm.s32 $0x3880;
	s16 =	simm.s32 $0x1  }
0x8: {  	s6 =	sand.u32 $0x1, s6;
	[smem:$0x7FF] =	sst s2;
	s7 =	sshll.u32 s1, $0x7  }
0x9: {  	s3 =	sadd.s32 $0x200, s3;
	s8 =	sshll.u32 s6, $0x6;
	s6 =	ssub.s32 $0x2, s6  }
0xa: {  	_ =	strace $0x80000047;
	s7 =	sor.u32 s8, s7;
	s31 =	sshrl.u32 s6, $0x1  }
0xb: {  	v2 =	vlaneseq.u32;
	s8 =	simm.s32 $0x80;
	s9 =	sshrl.u32 s7, $0x3;
	s7 =	sshll.u32 s7, $0x5  }
0xc: {  	vm0 =	vmmov $0xffff;
	v1 =	vshrl.u32 v2, $0x3;
	s6 =	ssub.s32 s6, s31;
	s4 =	sadd.s32 s4, s9;
	s5 =	sadd.s32 s5, s7  }
0xd: {  	v0 =	vand.u32 $0x7, v2;
	v2 =	vor.u32 $0x8, v2;
	v1 =	vmul.u32 $0x8, v1;
	s6 =	smax.u32 s6, $0x1;
	s7 =	simm.s32 $0x2;
	s9 =	simm.s32 $0x880  }
.LBB2_1:
0xe: {  	[tilespmem:s2], [sflag:$0x2] =	stream.linear.gather [hbm4b:s4+s2], $0x40, $0x38;
	[tilespmem:$0x4080] =	vst v63  }
0xf: {  	_ =	swait.ge [sflag:s7], $0x40  }
0x10: {  	[sflag:s7] =	ssyncset.done $0x0  }
0x11: {  	[sflag:s7] =	ssyncadd.s32 $0xFFFFFFC0  }
0x12: {  	v3 =	vld [tilespmem:$0x0];
	_ =	sdelay $0x4  }
0x13: {  	v4 =	vshll.u32 v3, $0x1  }
0x14: {  	v3 =	vand.u32 $0x7, v3;
	v4 =	vand.u32 $0xFFFFFFF0, v4  }
0x15: {  	v3 =	vor.u32 v3, v4  }
0x16: {  	v4 =	vperm.xlane v3, v0;
	_ =	sdelay $0x1  }
0x17: {  	v3 =	vperm.xlane v3, v2;
	v4 =	vadd.s32 v1, v4;
	_ =	sdelay $0x1  }
0x18: {  	v3 =	vadd.s32 v1, v3;
	_ =	sdelay $0x2  }
0x19: {  	[tilespmem:s8], [sflag:$0x1] =	stream.indirect_vreg.gather [hbm4b:s3+s2], $0x80, v4, vm0, $0xb8;
	[tilespmem:$0x4080] =	vst v63  }
0x1a: {  	_ = 	snop  }
0x1b: {  	[tilespmem:s9], [sflag:$0x1] =	stream.indirect_vreg.gather [hbm4b:s3+s2], $0x80, v3, vm0, $0xb8;
	[tilespmem:$0x4080] =	vst v63  }
0x1c: {  	v3 =	vld [tilespmem:$0x10];
	_ =	sdelay $0x4  }
0x1d: {  	v61 =	vshll.u32 v3, $0x1  }
0x1e: {  	v3 =	vand.u32 $0x7, v3;
	v4 =	vand.u32 $0xFFFFFFF0, v61  }
0x1f: {  	v3 =	vor.u32 v3, v4  }
0x20: {  	v4 =	vperm.xlane v3, v0;
	_ =	sdelay $0x1  }
0x21: {  	v3 =	vperm.xlane v3, v2;
	v4 =	vadd.s32 v1, v4;
	_ =	sdelay $0x1  }
0x22: {  	v3 =	vadd.s32 v1, v3;
	_ =	sdelay $0x2  }
0x23: {  	[tilespmem:s10], [sflag:$0x1] =	stream.indirect_vreg.gather [hbm4b:s3+s2], $0x80, v4, vm0, $0xb8;
	[tilespmem:$0x4080] =	vst v63  }
0x24: {  	_ = 	snop  }
0x25: {  	[tilespmem:s11], [sflag:$0x1] =	stream.indirect_vreg.gather [hbm4b:s3+s2], $0x80, v3, vm0, $0xb8;
	[tilespmem:$0x4080] =	vst v63  }
0x26: {  	v3 =	vld [tilespmem:$0x20];
	_ =	sdelay $0x4  }
0x27: {  	v62 =	vshll.u32 v3, $0x1  }
0x28: {  	v3 =	vand.u32 $0x7, v3;
	v4 =	vand.u32 $0xFFFFFFF0, v62  }
0x29: {  	v3 =	vor.u32 v3, v4  }
0x2a: {  	v4 =	vperm.xlane v3, v0;
	_ =	sdelay $0x1  }
0x2b: {  	v3 =	vperm.xlane v3, v2;
	v4 =	vadd.s32 v1, v4;
	_ =	sdelay $0x1  }
0x2c: {  	v3 =	vadd.s32 v1, v3;
	_ =	sdelay $0x2  }
0x2d: {  	[tilespmem:s12], [sflag:$0x1] =	stream.indirect_vreg.gather [hbm4b:s3+s2], $0x80, v4, vm0, $0xb8;
	[tilespmem:$0x4080] =	vst v63  }
0x2e: {  	_ = 	snop  }
0x2f: {  	[tilespmem:s13], [sflag:$0x1] =	stream.indirect_vreg.gather [hbm4b:s3+s2], $0x80, v3, vm0, $0xb8;
	[tilespmem:$0x4080] =	vst v63  }
0x30: {  	v3 =	vld [tilespmem:$0x30];
	_ =	sdelay $0x4  }
0x31: {  	v63 =	vshll.u32 v3, $0x1  }
0x32: {  	v3 =	vand.u32 $0x7, v3;
	v4 =	vand.u32 $0xFFFFFFF0, v63  }
0x33: {  	v3 =	vor.u32 v3, v4  }
0x34: {  	v4 =	vperm.xlane v3, v0;
	_ =	sdelay $0x1  }
0x35: {  	v3 =	vperm.xlane v3, v2;
	v4 =	vadd.s32 v1, v4;
	_ =	sdelay $0x1  }
0x36: {  	v3 =	vadd.s32 v1, v3;
	_ =	sdelay $0x2  }
0x37: {  	[tilespmem:s14], [sflag:$0x1] =	stream.indirect_vreg.gather [hbm4b:s3+s2], $0x80, v4, vm0, $0xb8;
	[tilespmem:$0x4080] =	vst v63  }
0x38: {  	_ = 	snop  }
0x39: {  	[tilespmem:s15], [sflag:$0x1] =	stream.indirect_vreg.gather [hbm4b:s3+s2], $0x80, v3, vm0, $0xb8;
	[tilespmem:$0x4080] =	vst v63  }
0x3a: {  	_ =	swait.ge [sflag:s16], $0x4000  }
0x3b: {  	p0 =	sne.s32 s6, $0x1;
	[sflag:s16] =	ssyncset.done $0x0  }
.Ltmp0:
0x3c: {  	[sflag:s16] =	ssyncadd.s32 $0xFFFFC000;
	(pc) =	sbr.rel @p0 .LBB2_1-.Ltmp0, $4  }
0x3d: {  	[hbm4b:s5+s2] =	stream.linear.scatter [tilespmem:s8], [sflag:$0x2], $0x4000, $0x38;
	[tilespmem:$0x4080] =	vst v63  }
0x3e: {  	_ =	swait.ge [sflag:s7], $0x4000  }
0x3f: {  	[sflag:s7] =	ssyncset.done $0x0  }
0x40: {  	s6 =	sadd.s32 $0xFFFFFFFF, s6;
	[sflag:s7] =	ssyncadd.s32 $0xFFFFC000  }
0x41: {  	_ =	sfence.sel $0x180000  }
0x42: {  	[bflag:$0x0] =	sbarrier.arrive $0xFFFF  }
0x43: {  	p0 =	sne.s32 s1, $0x0;
	_ =	strace $0x90000047  }
0x44: {  	s0 =	sadd.s32 @!p0 $0x100000, s0;
	[bflag:$0x2] =	sbarrier.arrive $0xFFFF  }
0x45: {  	[sflag:s0] =	ssyncadd.tile.s32 @!p0 $0x1;
	_ =	shalt  }
.Lfunc_end2:
_tile_overlayer_lowered:
.L_overlay_start_2:
0x46: {  	(tag) =	ssettag $0x2  }
0x47: {  	s0 =	rddreg [dreg:$0x0];
	s2 =	stileid.u32  }
0x48: {  	s1 =	rddreg [dreg:$0x1];
	p0 =	sne.s32 s2, $0x0  }
0x49: {  	s3 =	rddreg [dreg:$0x2];
	[bflag:$0x3] =	sbarrier.arrive $0xFFFF;
	s2 =	simm.s32 @!p0 $0x1C02  }
0x4a: {  	[timem:s3], [sflag:s2] =	dma.local @!p0 [hbm:s0], s1  }
0x4b: {  	s0 =	simm.s32 @!p0 $0x2  }
0x4c: {  	_ =	swait.ge @!p0 [sflag:s0], s1  }
0x4d: {  	s1 =	ssub.s32 @!p0 $0x0, s1;
	[sflag:s0] =	ssyncset.done @!p0 $0x0  }
0x4e: {  	[sflag:s0] =	ssyncadd.s32 @!p0 s1  }
0x4f: {  	[bflag:$0x3] =	sbarrier.arrive $0xFFFF  }
0x50: {  	_ =	shalt  }

</sc_bundles>
